<compile_context>
chip_gen: v7x
topology: tpu7x:2x2x1
jax: 0.10.2.dev20260603
libtpu: 0.0.44.dev20260713+nightly
codegen_flags: <defaults>
</compile_context>

<pallas_src>
import functools

import jax
import jax.numpy as jnp
from jax import lax
from jax.experimental import pallas as pl
from jax.experimental.pallas import tpu as pltpu
from jax.experimental.pallas import tpu_sc as plsc

_L = 16


def _make_mask_kernel(batch, seq):
    mesh = plsc.VectorSubcoreMesh(core_axis_name="c", subcore_axis_name="s")

    @functools.partial(
        pl.kernel,
        mesh=mesh,
        out_type=jax.ShapeDtypeStruct((batch, seq), jnp.float32),
        compiler_params=pltpu.CompilerParams(needs_layout_passes=False),
        scratch_types=[
            pltpu.VMEM((seq,), jnp.int32),
            pltpu.VMEM((_L,), jnp.int32),
            pltpu.VMEM((seq,), jnp.float32),
            pltpu.SemaphoreType.DMA,
        ],
    )
    def mask_kernel(orders_hbm, nb_hbm, out_hbm, idx_v, n_v, row_v, sem):
        wid = lax.axis_index("s") * 2 + lax.axis_index("c")
        half = seq // 2

        @pl.when(wid < batch)
        def _():
            cp_n = pltpu.async_copy(nb_hbm.at[wid], n_v, sem)
            cp_a = pltpu.async_copy(
                orders_hbm.at[wid, pl.ds(0, half)], idx_v.at[pl.ds(0, half)], sem
            )
            cp_b = pltpu.async_copy(
                orders_hbm.at[wid, pl.ds(half, half)],
                idx_v.at[pl.ds(half, half)],
                sem,
            )
            cp_n.wait()
            cp_a.wait()
            nvec = n_v[...]
            jbase = lax.iota(jnp.int32, 16)

            @plsc.parallel_loop(0, half, step=_L, unroll=16)
            def _body_a(j0):
                idx16 = idx_v[pl.ds(j0, _L)]
                vals = jnp.where(jbase + j0 < nvec, 1.0, 0.0)
                plsc.store_scatter(row_v, [idx16], vals)

            cp_b.wait()

            @plsc.parallel_loop(half, seq, step=_L, unroll=16)
            def _body_b(j0):
                idx16 = idx_v[pl.ds(j0, _L)]
                vals = jnp.where(jbase + j0 < nvec, 1.0, 0.0)
                plsc.store_scatter(row_v, [idx16], vals)

            pltpu.sync_copy(row_v, out_hbm.at[wid])

    return mask_kernel


def kernel(patches, orders):
    batch, seq, _ = patches.shape
    n = jax.random.randint(jax.random.key(42), (batch,), 1, seq + 1)
    nb = jnp.broadcast_to(n.astype(jnp.int32)[:, None], (batch, _L))
    idx = orders.astype(jnp.int32)
    return _make_mask_kernel(batch, seq)(idx, nb)

# --- scband reference (transcript-rebuilt; emitter-appended) ---
"""Pipeline reference for scband-uniform-mask-generator-19353122635811 (READ-ONLY COPY).

The authoritative reference and input builder live on the scoring server;
editing this copy changes nothing except your own understanding.
"""

import jax, jax.numpy as jnp
import numpy as np

B, S, D = 4, 4096, 1024

def setup_inputs(seed: int = 0) -> dict:
    key = jax.random.key(seed)
    k1, k2 = jax.random.split(key)
    patches = jax.random.normal(k1, (B, S, D), dtype=jnp.float32)
    # orders is a per-row random permutation of [0, S), as in masked-autoregressive training
    perm_keys = jax.random.split(k2, B)
    orders = jax.vmap(lambda k: jax.random.permutation(k, S))(perm_keys).astype(jnp.int64)
    return {"patches": patches, "orders": orders}


def reference(patches, orders):
    batch_size, seq_len, _hidden_dim = patches.shape
    # torch.randint(1, seq_len + 1, (batch_size,)) -> fixed key for determinism
    rkey = jax.random.key(42)
    num_masked_tokens = jax.random.randint(rkey, (batch_size,), 1, seq_len + 1)
    # mask.scatter(dim=1, index=orders[:, :num_masked], value=1):
    # positions orders[b, j] for j < num_masked[b] get 1, everything else stays 0.
    vals = (jnp.arange(seq_len)[None, :] < num_masked_tokens[:, None]).astype(jnp.float32)
    bidx = jnp.arange(batch_size)[:, None]
    mask = jnp.zeros((batch_size, seq_len), dtype=jnp.float32)
    mask = mask.at[bidx, orders].set(vals)
    return mask

if __name__ == "__main__":
    import jax
    _d = setup_inputs()
    print(jax.jit(kernel)(*tuple(_d.values())))

</pallas_src>

<mosaic_0001>
#map = affine_map<(d0, d1) -> (0, 0)>
module attributes {stable_mosaic.version = 14 : i64} {
  func.func @mask_kernel(%arg0: i32, %arg1: i32, %arg2: memref<4x4096xi32, #tpu.memory_space<hbm>>, %arg3: memref<4x16xi32, #tpu.memory_space<hbm>>, %arg4: memref<4x4096xf32, #tpu.memory_space<hbm>>, %arg5: memref<4096xi32, #tpu.memory_space<vmem>>, %arg6: memref<16xi32, #tpu.memory_space<vmem>>, %arg7: memref<4096xf32, #tpu.memory_space<vmem>>, %arg8: memref<!tpu.dma_semaphore, #tpu.memory_space<semaphore_mem>>) attributes {dimension_semantics = [#tpu.dimension_semantics<core_parallel>, #tpu.dimension_semantics<subcore_parallel>], iteration_bounds = array<i64: 2, 16>, scalar_prefetch = 0 : i64, scratch_operands = 4 : i64, tpu.core_type = #tpu.core_type<sc_vector_subcore>, window_params = [{transform_indices = #map}, {transform_indices = #map}, {transform_indices = #map}]} {
    %mul3A = arith.constant 2 : i32
    %mul3A_0 = arith.muli %arg1, %mul3A : i32
    %add3A = arith.addi %mul3A_0, %arg0 : i32
    %lt3A = arith.constant 4 : i32
    %lt3A_1 = arith.cmpi slt, %add3A, %lt3A : i32
    %convert_element_type3A = arith.extui %lt3A_1 : i1 to i32
    %cond3A = arith.constant 0 : i32
    %cond3A_2 = arith.cmpi ne, %convert_element_type3A, %cond3A : i32
    scf.if %cond3A_2 {
      %dma_start3A = arith.constant 0 : i32
      %dma_start3A_3 = tpu.memref_slice %arg3[%add3A, %dma_start3A] : memref<4x16xi32, #tpu.memory_space<hbm>> -> memref<1x16xi32, #tpu.memory_space<hbm>>
      %dma_start3A_4 = tpu.memref_squeeze %dma_start3A_3 : memref<1x16xi32, #tpu.memory_space<hbm>> -> memref<16xi32, #tpu.memory_space<hbm>>
      %dma_start3A_5 = arith.constant 0 : i32
      %dma_start3A_6 = tpu.memref_slice %arg3[%add3A, %dma_start3A_5] : memref<4x16xi32, #tpu.memory_space<hbm>> -> memref<1x16xi32, #tpu.memory_space<hbm>>
      %dma_start3A_7 = tpu.memref_squeeze %dma_start3A_6 : memref<1x16xi32, #tpu.memory_space<hbm>> -> memref<16xi32, #tpu.memory_space<hbm>>
      tpu.enqueue_dma source(%dma_start3A_7 : memref<16xi32, #tpu.memory_space<hbm>>) target(%arg6 : memref<16xi32, #tpu.memory_space<vmem>>) target_semaphore(%arg8 : memref<!tpu.dma_semaphore, #tpu.memory_space<semaphore_mem>>)
      %dma_start3A_8 = arith.constant 0 : i32
      %dma_start3A_9 = tpu.memref_slice %arg5[%dma_start3A_8] : memref<4096xi32, #tpu.memory_space<vmem>> -> memref<2048xi32, #tpu.memory_space<vmem>>
      %dma_start3A_10 = arith.constant 0 : i32
      %dma_start3A_11 = tpu.memref_slice %arg2[%add3A, %dma_start3A_10] : memref<4x4096xi32, #tpu.memory_space<hbm>> -> memref<1x2048xi32, #tpu.memory_space<hbm>>
      %dma_start3A_12 = tpu.memref_squeeze %dma_start3A_11 : memref<1x2048xi32, #tpu.memory_space<hbm>> -> memref<2048xi32, #tpu.memory_space<hbm>>
      %dma_start3A_13 = arith.constant 0 : i32
      %dma_start3A_14 = tpu.memref_slice %arg5[%dma_start3A_13] : memref<4096xi32, #tpu.memory_space<vmem>> -> memref<2048xi32, #tpu.memory_space<vmem>>
      %dma_start3A_15 = arith.constant 0 : i32
      %dma_start3A_16 = tpu.memref_slice %arg2[%add3A, %dma_start3A_15] : memref<4x4096xi32, #tpu.memory_space<hbm>> -> memref<1x2048xi32, #tpu.memory_space<hbm>>
      %dma_start3A_17 = tpu.memref_squeeze %dma_start3A_16 : memref<1x2048xi32, #tpu.memory_space<hbm>> -> memref<2048xi32, #tpu.memory_space<hbm>>
      tpu.enqueue_dma source(%dma_start3A_17 : memref<2048xi32, #tpu.memory_space<hbm>>) target(%dma_start3A_14 : memref<2048xi32, #tpu.memory_space<vmem>>) target_semaphore(%arg8 : memref<!tpu.dma_semaphore, #tpu.memory_space<semaphore_mem>>)
      %dma_start3A_18 = arith.constant 2048 : i32
      %dma_start3A_19 = tpu.memref_slice %arg5[%dma_start3A_18] : memref<4096xi32, #tpu.memory_space<vmem>> -> memref<2048xi32, #tpu.memory_space<vmem>>
      %dma_start3A_20 = arith.constant 2048 : i32
      %dma_start3A_21 = tpu.memref_slice %arg2[%add3A, %dma_start3A_20] : memref<4x4096xi32, #tpu.memory_space<hbm>> -> memref<1x2048xi32, #tpu.memory_space<hbm>>
      %dma_start3A_22 = tpu.memref_squeeze %dma_start3A_21 : memref<1x2048xi32, #tpu.memory_space<hbm>> -> memref<2048xi32, #tpu.memory_space<hbm>>
      %dma_start3A_23 = arith.constant 2048 : i32
      %dma_start3A_24 = tpu.memref_slice %arg5[%dma_start3A_23] : memref<4096xi32, #tpu.memory_space<vmem>> -> memref<2048xi32, #tpu.memory_space<vmem>>
      %dma_start3A_25 = arith.constant 2048 : i32
      %dma_start3A_26 = tpu.memref_slice %arg2[%add3A, %dma_start3A_25] : memref<4x4096xi32, #tpu.memory_space<hbm>> -> memref<1x2048xi32, #tpu.memory_space<hbm>>
      %dma_start3A_27 = tpu.memref_squeeze %dma_start3A_26 : memref<1x2048xi32, #tpu.memory_space<hbm>> -> memref<2048xi32, #tpu.memory_space<hbm>>
      tpu.enqueue_dma source(%dma_start3A_27 : memref<2048xi32, #tpu.memory_space<hbm>>) target(%dma_start3A_24 : memref<2048xi32, #tpu.memory_space<vmem>>) target_semaphore(%arg8 : memref<!tpu.dma_semaphore, #tpu.memory_space<semaphore_mem>>)
      %dma_wait3A = arith.constant 0 : i32
      %dma_wait3A_28 = tpu.memref_slice %arg3[%add3A, %dma_wait3A] : memref<4x16xi32, #tpu.memory_space<hbm>> -> memref<1x16xi32, #tpu.memory_space<hbm>>
      %dma_wait3A_29 = tpu.memref_squeeze %dma_wait3A_28 : memref<1x16xi32, #tpu.memory_space<hbm>> -> memref<16xi32, #tpu.memory_space<hbm>>
      %dma_wait3A_30 = arith.constant 0 : i32
      %dma_wait3A_31 = tpu.memref_slice %arg3[%add3A, %dma_wait3A_30] : memref<4x16xi32, #tpu.memory_space<hbm>> -> memref<1x16xi32, #tpu.memory_space<hbm>>
      %dma_wait3A_32 = tpu.memref_squeeze %dma_wait3A_31 : memref<1x16xi32, #tpu.memory_space<hbm>> -> memref<16xi32, #tpu.memory_space<hbm>>
      tpu.wait_dma2 semaphore(%arg8 : memref<!tpu.dma_semaphore, #tpu.memory_space<semaphore_mem>>) src(%dma_wait3A_32 : memref<16xi32, #tpu.memory_space<hbm>>) dst(%arg6 : memref<16xi32, #tpu.memory_space<vmem>>)
      %dma_wait3A_33 = arith.constant 0 : i32
      %dma_wait3A_34 = tpu.memref_slice %arg5[%dma_wait3A_33] : memref<4096xi32, #tpu.memory_space<vmem>> -> memref<2048xi32, #tpu.memory_space<vmem>>
      %dma_wait3A_35 = arith.constant 0 : i32
      %dma_wait3A_36 = tpu.memref_slice %arg2[%add3A, %dma_wait3A_35] : memref<4x4096xi32, #tpu.memory_space<hbm>> -> memref<1x2048xi32, #tpu.memory_space<hbm>>
      %dma_wait3A_37 = tpu.memref_squeeze %dma_wait3A_36 : memref<1x2048xi32, #tpu.memory_space<hbm>> -> memref<2048xi32, #tpu.memory_space<hbm>>
      %dma_wait3A_38 = arith.constant 0 : i32
      %dma_wait3A_39 = tpu.memref_slice %arg5[%dma_wait3A_38] : memref<4096xi32, #tpu.memory_space<vmem>> -> memref<2048xi32, #tpu.memory_space<vmem>>
      %dma_wait3A_40 = arith.constant 0 : i32
      %dma_wait3A_41 = tpu.memref_slice %arg2[%add3A, %dma_wait3A_40] : memref<4x4096xi32, #tpu.memory_space<hbm>> -> memref<1x2048xi32, #tpu.memory_space<hbm>>
      %dma_wait3A_42 = tpu.memref_squeeze %dma_wait3A_41 : memref<1x2048xi32, #tpu.memory_space<hbm>> -> memref<2048xi32, #tpu.memory_space<hbm>>
      tpu.wait_dma2 semaphore(%arg8 : memref<!tpu.dma_semaphore, #tpu.memory_space<semaphore_mem>>) src(%dma_wait3A_42 : memref<2048xi32, #tpu.memory_space<hbm>>) dst(%dma_wait3A_39 : memref<2048xi32, #tpu.memory_space<vmem>>)
      %get3A = arith.constant 0 : index
      %get3A_43 = tpu.vector_load %arg6[%get3A] {strides = array<i32>} : memref<16xi32, #tpu.memory_space<vmem>>, vector<16xi32>,
      %iota3A = tpu.iota {dimensions = array<i32: 0>} : vector<16xi32>
      %parallel_loop3A = arith.constant 0 : i32
      %parallel_loop3A_44 = arith.constant 2048 : i32
      %parallel_loop3A_45 = arith.constant 16 : i32
      scf.for %parallel_loop3A_59 = %parallel_loop3A to %parallel_loop3A_44 step %parallel_loop3A_45  : i32 {
        %parallel_loop3A_60 = arith.index_cast %parallel_loop3A_59 : i32 to index
        %parallel_loop3A_61 = tpu.vector_load %arg5[%parallel_loop3A_60] {strides = array<i32>} : memref<4096xi32, #tpu.memory_space<vmem>>, vector<16xi32>,
        %parallel_loop3A_62 = vector.broadcast %parallel_loop3A_59 : i32 to vector<16xi32>
        %parallel_loop3A_63 = arith.addi %iota3A, %parallel_loop3A_62 : vector<16xi32>
        %parallel_loop3A_64 = arith.cmpi slt, %parallel_loop3A_63, %get3A_43 : vector<16xi32>
        %parallel_loop3A_65 = arith.constant 1.000000e+00 : f32
        %parallel_loop3A_66 = arith.constant 0.000000e+00 : f32
        %parallel_loop3A_67 = vector.broadcast %parallel_loop3A_65 : f32 to vector<16xf32>
        %parallel_loop3A_68 = vector.broadcast %parallel_loop3A_66 : f32 to vector<16xf32>
        %parallel_loop3A_69 = arith.select %parallel_loop3A_64, %parallel_loop3A_67, %parallel_loop3A_68 : vector<16xi1>, vector<16xf32>
        tpu.vector_store_idx %arg7[%parallel_loop3A_61], %parallel_loop3A_69 : memref<4096xf32, #tpu.memory_space<vmem>>[vector<16xi32>], vector<16xf32>,
      } {sc.loop_unroll_factor = 16 : i64, sc.parallel_access}
      %dma_wait3A_46 = arith.constant 2048 : i32
      %dma_wait3A_47 = tpu.memref_slice %arg5[%dma_wait3A_46] : memref<4096xi32, #tpu.memory_space<vmem>> -> memref<2048xi32, #tpu.memory_space<vmem>>
      %dma_wait3A_48 = arith.constant 2048 : i32
      %dma_wait3A_49 = tpu.memref_slice %arg2[%add3A, %dma_wait3A_48] : memref<4x4096xi32, #tpu.memory_space<hbm>> -> memref<1x2048xi32, #tpu.memory_space<hbm>>
      %dma_wait3A_50 = tpu.memref_squeeze %dma_wait3A_49 : memref<1x2048xi32, #tpu.memory_space<hbm>> -> memref<2048xi32, #tpu.memory_space<hbm>>
      %dma_wait3A_51 = arith.constant 2048 : i32
      %dma_wait3A_52 = tpu.memref_slice %arg5[%dma_wait3A_51] : memref<4096xi32, #tpu.memory_space<vmem>> -> memref<2048xi32, #tpu.memory_space<vmem>>
      %dma_wait3A_53 = arith.constant 2048 : i32
      %dma_wait3A_54 = tpu.memref_slice %arg2[%add3A, %dma_wait3A_53] : memref<4x4096xi32, #tpu.memory_space<hbm>> -> memref<1x2048xi32, #tpu.memory_space<hbm>>
      %dma_wait3A_55 = tpu.memref_squeeze %dma_wait3A_54 : memref<1x2048xi32, #tpu.memory_space<hbm>> -> memref<2048xi32, #tpu.memory_space<hbm>>
      tpu.wait_dma2 semaphore(%arg8 : memref<!tpu.dma_semaphore, #tpu.memory_space<semaphore_mem>>) src(%dma_wait3A_55 : memref<2048xi32, #tpu.memory_space<hbm>>) dst(%dma_wait3A_52 : memref<2048xi32, #tpu.memory_space<vmem>>)
      %parallel_loop3A_56 = arith.constant 2048 : i32
      %parallel_loop3A_57 = arith.constant 4096 : i32
      %parallel_loop3A_58 = arith.constant 16 : i32
      scf.for %parallel_loop3A_59 = %parallel_loop3A_56 to %parallel_loop3A_57 step %parallel_loop3A_58  : i32 {
        %parallel_loop3A_60 = arith.index_cast %parallel_loop3A_59 : i32 to index
        %parallel_loop3A_61 = tpu.vector_load %arg5[%parallel_loop3A_60] {strides = array<i32>} : memref<4096xi32, #tpu.memory_space<vmem>>, vector<16xi32>,
        %parallel_loop3A_62 = vector.broadcast %parallel_loop3A_59 : i32 to vector<16xi32>
        %parallel_loop3A_63 = arith.addi %iota3A, %parallel_loop3A_62 : vector<16xi32>
        %parallel_loop3A_64 = arith.cmpi slt, %parallel_loop3A_63, %get3A_43 : vector<16xi32>
        %parallel_loop3A_65 = arith.constant 1.000000e+00 : f32
        %parallel_loop3A_66 = arith.constant 0.000000e+00 : f32
        %parallel_loop3A_67 = vector.broadcast %parallel_loop3A_65 : f32 to vector<16xf32>
        %parallel_loop3A_68 = vector.broadcast %parallel_loop3A_66 : f32 to vector<16xf32>
        %parallel_loop3A_69 = arith.select %parallel_loop3A_64, %parallel_loop3A_67, %parallel_loop3A_68 : vector<16xi1>, vector<16xf32>
        tpu.vector_store_idx %arg7[%parallel_loop3A_61], %parallel_loop3A_69 : memref<4096xf32, #tpu.memory_space<vmem>>[vector<16xi32>], vector<16xf32>,
      } {sc.loop_unroll_factor = 16 : i64, sc.parallel_access}
      "tpu.region"() ({
        %run_scoped3A = tpu.sem_alloc : memref<!tpu.dma_semaphore, #tpu.memory_space<semaphore_mem>>
        %dma_start3A_59 = arith.constant 0 : i32
        %dma_start3A_60 = tpu.memref_slice %arg4[%add3A, %dma_start3A_59] : memref<4x4096xf32, #tpu.memory_space<hbm>> -> memref<1x4096xf32, #tpu.memory_space<hbm>>
        %dma_start3A_61 = tpu.memref_squeeze %dma_start3A_60 : memref<1x4096xf32, #tpu.memory_space<hbm>> -> memref<4096xf32, #tpu.memory_space<hbm>>
        %dma_start3A_62 = arith.constant 0 : i32
        %dma_start3A_63 = tpu.memref_slice %arg4[%add3A, %dma_start3A_62] : memref<4x4096xf32, #tpu.memory_space<hbm>> -> memref<1x4096xf32, #tpu.memory_space<hbm>>
        %dma_start3A_64 = tpu.memref_squeeze %dma_start3A_63 : memref<1x4096xf32, #tpu.memory_space<hbm>> -> memref<4096xf32, #tpu.memory_space<hbm>>
        tpu.enqueue_dma source(%arg7 : memref<4096xf32, #tpu.memory_space<vmem>>) target(%dma_start3A_64 : memref<4096xf32, #tpu.memory_space<hbm>>) target_semaphore(%run_scoped3A : memref<!tpu.dma_semaphore, #tpu.memory_space<semaphore_mem>>)
        %dma_wait3A_65 = arith.constant 0 : i32
        %dma_wait3A_66 = tpu.memref_slice %arg4[%add3A, %dma_wait3A_65] : memref<4x4096xf32, #tpu.memory_space<hbm>> -> memref<1x4096xf32, #tpu.memory_space<hbm>>
        %dma_wait3A_67 = tpu.memref_squeeze %dma_wait3A_66 : memref<1x4096xf32, #tpu.memory_space<hbm>> -> memref<4096xf32, #tpu.memory_space<hbm>>
        %dma_wait3A_68 = arith.constant 0 : i32
        %dma_wait3A_69 = tpu.memref_slice %arg4[%add3A, %dma_wait3A_68] : memref<4x4096xf32, #tpu.memory_space<hbm>> -> memref<1x4096xf32, #tpu.memory_space<hbm>>
        %dma_wait3A_70 = tpu.memref_squeeze %dma_wait3A_69 : memref<1x4096xf32, #tpu.memory_space<hbm>> -> memref<4096xf32, #tpu.memory_space<hbm>>
        tpu.wait_dma2 semaphore(%run_scoped3A : memref<!tpu.dma_semaphore, #tpu.memory_space<semaphore_mem>>) src(%arg7 : memref<4096xf32, #tpu.memory_space<vmem>>) dst(%dma_wait3A_70 : memref<4096xf32, #tpu.memory_space<hbm>>)
        tpu.yield
      }) : () -> ()
    } else {
    }
    return
  }
}

</mosaic_0001>

<sc_bundles>
// kernel: kernel.3.cloned.1.call-start
scs
__scs_entry_jumppad:
0x0: {  	(pc) =	sbr.rel $0x88, $3  }
0x1: {  	(tag) =	ssettag $0x0;
	lr =	simm.s32 $0x1  }
0x2: {  	[smem:$0x3FA0] =	sst lr;
	_ =	strace $0xD0000000  }
0x3: {  	_ = 	snop  }
0x4: {  	_ = 	snop  }
0x5: {  	_ = 	snop  }
0x6: {  	_ = 	snop  }
0x7: {  	_ = 	snop  }
__scs_overlays_trampoline_lowered:
0x8: {  	[smem:$0x3FAF] =	sst s0  }
0x9: {  	[smem:$0x3FB0] =	sst s1  }
0xa: {  	[smem:$0x3FB1] =	sst s2  }
0xb: {  	[smem:$0x3FB2] =	sst s3  }
0xc: {  	[smem:$0x3FB3] =	sst s4  }
0xd: {  	[smem:$0x3FB4] =	sst s5  }
0xe: {  	[smem:$0x3FB5] =	sst s6  }
0xf: {  	[smem:$0x3FB6] =	sst s7  }
0x10: {  	[smem:$0x3FB7] =	sst s8  }
0x11: {  	[smem:$0x3FB8] =	sst s9;
	s0 =	simm.s32 @!p0 $0x0  }
0x12: {  	s1 =	sld [smem:$0x3F9E];
	s0 =	simm.s32 @p0 $0x1  }
0x13: {  	[smem:$0x3FB9] =	sst s0;
	s0 =	simm.s32 @!p1 $0x0  }
0x14: {  	s2 =	sld [smem:$0x3F9D];
	s0 =	simm.s32 @p1 $0x1  }
0x15: {  	[smem:$0x3FBA] =	sst s0;
	s0 =	simm.s32 @!p2 $0x0  }
0x16: {  	s3 =	sld [smem:$0x3FDB];
	s0 =	simm.s32 @p2 $0x1  }
0x17: {  	s4 =	simm.s32 $0x1BF5;
	[smem:$0x3FBC] =	sst s0  }
0x18: {  	s0 =	sld [smem:$0x3F9F];
	_ =	swait.ge [sflag:s4], $0x0  }
0x19: {  	s7 =	sld [smem:$0x3FA0]  }
0x1a: {  	s8 =	sadd.s32 $0xFFFFE003, lr  }
0x1b: {  	s9 =	sadd.s32 $0xFFFFFEF7, lr;
	s5 =	simm.s32 $0xFFFFFFFF;
	p2 =	slt.u32 s8, $0xFFFFF086  }
0x1c: {  	p1 =	slt.u32 s9, $0xF7A;
	s5 =	simm.s32 @!p2 $0x0  }
0x1d: {  	s5 =	simm.s32 @p1 $0x1;
	p0 =	seq.s32 s7, s2  }
0x1e: {  	s7 =	smul.u32 @!p0 $0xF7A, s2;
	p2 =	seq.s32 @!p0 s5, $0x0  }
0x1f: {  	s9 =	smul.u32 $0xF7A, s1;
	s8 =	simm.s32 @!p0 $0x1BF5;
	p2 =	por !p2, p0  }
0x20: {  	[sflag:s8] =	ssyncset.s32 @!p0 $0xFFFFF086;
	s6 =	sadd.s32 @!p0 s3, s7;
	s7 =	simm.s32 @!p0 $0x108  }
0x21: {  	s3 =	sadd.s32 s3, s9;
	s6 =	sadd.s32 @!p0 $0x88, s6;
	s7 =	simm.s32 @p2 $0x1082  }
0x22: {  	[simem:s7], [sflag:s8] =	dma.local @!p0 [hbm:s6], $0xF7A  }
0x23: {  	s9 =	sor.u32 $0xD0000000, s2;
	s6 =	simm.s32 $0x108;
	_ =	swait.ge @!p0 [sflag:s8], $0x0  }
0x24: {  	s3 =	sadd.s32 $0x88, s3;
	s6 =	simm.s32 @!p1 $0x1082;
	[sflag:s4] =	ssyncset.s32 $0xFFFFF086  }
0x25: {  	[simem:s6], [sflag:s4] =	dma.local [hbm:s3], $0xF7A  }
0x26: {  	[smem:$0x3FA0] =	sst s1;
	(tag) =	ssettag s2;
	_ =	strace s9  }
0x27: {  	s1 =	sld [smem:$0x3FB0]  }
0x28: {  	s2 =	sld [smem:$0x3FB1]  }
0x29: {  	s4 =	sld [smem:$0x3FB3]  }
0x2a: {  	p0 =	seq.s32 s5, $0x0;
	s5 =	sld [smem:$0x3FB4]  }
0x2b: {  	s6 =	sld [smem:$0x3FB5]  }
0x2c: {  	s7 =	sld [smem:$0x3FB6]  }
0x2d: {  	s3 =	simm.s32 $0x108;
	s8 =	sld [smem:$0x3FB7]  }
0x2e: {  	s3 =	simm.s32 @!p0 $0x1082;
	s9 =	sld [smem:$0x3FB8]  }
0x2f: {  	lr =	sadd.s32 s0, s3;
	s0 =	sld [smem:$0x3FAF]  }
0x30: {  	s3 =	sld [smem:$0x3FB2]  }
0x31: {  	[smem:$0x3FBB] =	sst s10  }
0x32: {  	s10 =	sld [smem:$0x3FB9];
	_ =	sdelay $0x3  }
0x33: {  	p0 =	seq.s32 s10, $0x1;
	s10 =	sld [smem:$0x3FBB];
	_ =	sdelay $0x3  }
0x34: {  	[smem:$0x3FBB] =	sst s10  }
0x35: {  	s10 =	sld [smem:$0x3FBA];
	_ =	sdelay $0x3  }
0x36: {  	p1 =	seq.s32 s10, $0x1;
	s10 =	sld [smem:$0x3FBB];
	_ =	sdelay $0x3  }
0x37: {  	[smem:$0x3FBB] =	sst s10  }
0x38: {  	s10 =	sld [smem:$0x3FBC]  }
0x39: {  	_ = 	snop;
	(pc) =	sbr.ind lr, $3  }
0x3a: {  	_ = 	snop  }
0x3b: {  	_ = 	snop  }
0x3c: {  	p2 =	seq.s32 s10, $0x1;
	s10 =	sld [smem:$0x3FBB]  }
0x3d: {  	_ =	shalt  }
0x3e: {  	_ =	shalt  }
0x3f: {  	_ =	shalt  }
0x40: {  	_ =	shalt  }
0x41: {  	_ =	shalt  }
0x42: {  	_ =	shalt  }
0x43: {  	_ =	shalt  }
0x44: {  	_ =	shalt  }
0x45: {  	_ =	shalt  }
0x46: {  	_ =	shalt  }
0x47: {  	_ =	shalt  }
0x48: {  	_ =	shalt  }
0x49: {  	_ =	shalt  }
0x4a: {  	_ =	shalt  }
0x4b: {  	_ =	shalt  }
0x4c: {  	_ =	shalt  }
0x4d: {  	_ =	shalt  }
0x4e: {  	_ =	shalt  }
0x4f: {  	_ =	shalt  }
0x50: {  	_ =	shalt  }
0x51: {  	_ =	shalt  }
0x52: {  	_ =	shalt  }
0x53: {  	_ =	shalt  }
0x54: {  	_ =	shalt  }
0x55: {  	_ =	shalt  }
0x56: {  	_ =	shalt  }
0x57: {  	_ =	shalt  }
0x58: {  	_ =	shalt  }
0x59: {  	_ =	shalt  }
0x5a: {  	_ =	shalt  }
0x5b: {  	_ =	shalt  }
0x5c: {  	_ =	shalt  }
0x5d: {  	_ =	shalt  }
0x5e: {  	_ =	shalt  }
0x5f: {  	_ =	shalt  }
0x60: {  	_ =	shalt  }
0x61: {  	_ =	shalt  }
0x62: {  	_ =	shalt  }
0x63: {  	_ =	shalt  }
0x64: {  	_ =	shalt  }
0x65: {  	_ =	shalt  }
0x66: {  	_ =	shalt  }
0x67: {  	_ =	shalt  }
0x68: {  	_ =	shalt  }
0x69: {  	_ =	shalt  }
0x6a: {  	_ =	shalt  }
0x6b: {  	_ =	shalt  }
0x6c: {  	_ =	shalt  }
0x6d: {  	_ =	shalt  }
0x6e: {  	_ =	shalt  }
0x6f: {  	_ =	shalt  }
0x70: {  	_ =	shalt  }
0x71: {  	_ =	shalt  }
0x72: {  	_ =	shalt  }
0x73: {  	_ =	shalt  }
0x74: {  	_ =	shalt  }
0x75: {  	_ =	shalt  }
0x76: {  	_ =	shalt  }
0x77: {  	_ =	shalt  }
0x78: {  	_ =	shalt  }
0x79: {  	_ =	shalt  }
0x7a: {  	_ =	shalt  }
0x7b: {  	_ =	shalt  }
0x7c: {  	_ =	shalt  }
0x7d: {  	_ =	shalt  }
0x7e: {  	_ =	shalt  }
0x7f: {  	_ =	shalt  }
0x80: {  	_ =	shalt  }
0x81: {  	_ =	shalt  }
0x82: {  	_ =	shalt  }
0x83: {  	_ =	shalt  }
0x84: {  	_ =	shalt  }
0x85: {  	_ =	shalt  }
0x86: {  	_ =	shalt  }
0x87: {  	_ =	shalt  }
.Lfunc_end0:
.L_simem_size_0:
called_computation_lowered:
.L_overlay_start_0:
0x88: {  	s2 =	sld [smem:$0x3FD9]  }
0x89: {  	s3 =	sld [smem:$0x3FFE];
	_ =	sdelay $0x1  }
0x8a: {  	s1 =	srdreg.scid  }
0x8b: {  	s0 =	sand.u32 $0x1, s1  }
0x8c: {  	s17 =	sshll.u32 s0, $0xA;
	s2 =	sadd.s32 s3, s2  }
0x8d: {  	s2 =	sadd.s32 s2, s17  }
0x8e: {  	[smem:$0x3FC7] =	sst s2  }
0x8f: {  	_ = 	snop  }
0x90: {  	s2 =	sld [smem:$0x3FC9]  }
0x91: {  	s18 =	sld [smem:$0x3FD0];
	(tm) =	ssettm $0x1  }
0x92: {  	s4 =	sld [smem:$0x3FFB];
	_ =	sdelay $0x3  }
0x93: {  	_ =	strace s4  }
0x94: {  	s4 =	sld [smem:$0x3FFC];
	_ =	sdelay $0x3  }
0x95: {  	_ =	strace s4  }
0x96: {  	s4 =	sld [smem:$0x3FFD];
	_ =	sdelay $0x3  }
0x97: {  	_ =	strace s4  }
0x98: {  	_ =	strace $0x8FFFFFFF  }
0x99: {  	s19 =	sld [smem:$0x3FDB];
	_ =	sdelay $0x1  }
0x9a: {  	s5 =	simm.s32 $_scs_section_size  }
0x9b: {  	s6 =	simm.s32 $_size__tile_overlayer_lowered;
	s7 =	simm.s32 $_tile_overlayer_lowered  }
0x9c: {  	s22 =	simm.s32 $0x1BFF;
	s21 =	sshll.u32 s7, $0x1;
	s4 =	sadd.s32 s5, s19  }
0x9d: {  	s8 =	simm.s32 $0x0;
	s20 =	sshll.u32 s6, $0x1;
	s6 =	sadd.s32 s21, s4  }
0x9e: {  	[timem:s8], [sflag:s22] =	dma.local [hbm:s6], s20  }
0x9f: {  	_ =	swait.ge [sflag:s22], s20  }
0xa0: {  	s5 =	ssub.s32 $0x0, s20;
	[sflag:s22] =	ssyncset.done $0x0  }
0xa1: {  	[sflag:s22] =	ssyncadd.s32 s5;
	_ =	sdelay $0x1  }
0xa2: {  	s23 =	simm.s32 $0x1B8B  }
0xa3: {  	_ =	swait.ge [sflag:s23], $0x1  }
0xa4: {  	[sflag:s23] =	ssyncset.done $0x0  }
0xa5: {  	s25 =	simm.s32 $0x1B8E;
	s24 =	sld [smem:$0x3FFE];
	[sflag:s23] =	ssyncadd.s32 $0xFFFFFFFF  }
0xa6: {  	s26 =	simm.s32 $execute0_lowered;
	[smem:$0x3FD2] =	sst s25  }
0xa7: {  	s6 =	sshll.u32 s26, $0x1;
	_ =	strace $0x80000046;
	[dreg:$0x1] =	wrdreg $0xFFFFFFFF  }
0xa8: {  	s28 =	simm.s32 $_size_execute0_lowered;
	s4 =	sadd.s32 s4, s6;
	[dreg:$0x0] =	wrdreg $0x0  }
0xa9: {  	s6 =	sshll.u32 s28, $0x1;
	[dreg:$0x2] =	wrdreg s4  }
0xaa: {  	[dreg:$0x3] =	wrdreg s6  }
0xab: {  	[dreg:$0x4] =	wrdreg $0xC0  }
0xac: {  	_ =	task [dreg:s8], $0x5FFFF  }
0xad: {  	[dreg:$0x1] =	wrdreg $0xFFFFFFFF  }
0xae: {  	[dreg:$0x0] =	wrdreg $0x60  }
0xaf: {  	[dreg:$0x2] =	wrdreg s2  }
0xb0: {  	[dreg:$0x3] =	wrdreg s24  }
0xb1: {  	[dreg:$0x4] =	wrdreg s18  }
0xb2: {  	[dreg:$0x5] =	wrdreg $0x9  }
0xb3: {  	_ =	task.clear_ibuf [dreg:s8], $0x6FFFF;
	_ =	strace $0x90000046  }
0xb4: {  	s29 =	simm.s32 $0x9;
	_ =	strace $0x80000048  }
0xb5: {  	_ =	swait.ge [sflag:s29], $0x1  }
0xb6: {  	[sflag:s29] =	ssyncadd.s32 $0xFFFFFFFF  }
0xb7: {  	_ =	strace $0x90000048  }
0xb8: {  	_ =	sfence  }
0xb9: {  	s30 =	sld [smem:$0x0];
	_ =	sdelay $0x2  }
0xba: {  	s31 =	sshll.u32 s1, $0xD;
	s1 =	sshrl.u32 s1, $0x2  }
0xbb: {  	s3 =	sand.u32 $0x4000, s31;
	s1 =	sadd.s32 s1, s30  }
0xbc: {  	s0 =	sor.u32 s3, s0;
	s1 =	sshll.u32 s1, $0x11  }
0xbd: {  	s0 =	sor.u32 s1, s0  }
0xbe: {  	s0 =	sadd.s32 $0x8F2B, s0  }
0xbf: {  	[sflag:s0] =	ssyncadd.remote.s32 $0x1  }
0xc0: {  	_ =	sfence.sel $0xFFFF  }
0xc1: {  	[dreg:$0x0] =	wrdreg $0xFFFFFFFF;
	(pc) =	sbr.abs _section_cstart, $3  }
0xc2: {  	[dreg:$0x1] =	wrdreg $0xFFFFFFFF  }
0xc3: {  	_ =	task.clear_ibuf [dreg:s8], $0x2FFFF;
	_ =	strace $0x9FFFFFFF  }
0xc4: {  	(tm) =	ssettm $0x7FFFFFFF  }
0xc5: {  	_ =	shalt  }
tec
execute0_lowered:
.L_overlay_start_1:
0x0: {  	(tag) =	ssettag $0x1  }
0x1: {  	s1 =	stileid.u32  }
0x2: {  	p0 =	sgt.u32 s1, $0x1  }
.Ltmp0:
0x3: {  	s3 =	rddreg [dreg:$0x0];
	(pc) =	sbr.rel @p0 .LBB2_7-.Ltmp0, $4  }
0x4: {  	s5 =	rddreg [dreg:$0x1]  }
0x5: {  	s4 =	rddreg [dreg:$0x2];
	s2 =	simm.s32 $0x0  }
0x6: {  	[smem:$0x7FF] =	sst s2  }
0x7: {  	s0 =	rddreg [dreg:$0x3];
	_ =	strace $0x80000047  }
0x8: {  	s6 =	srdreg.scid;
	s7 =	sshll.u32 s1, $0x5;
	s30 =	sadd.s32 $0x600, s5  }
0x9: {  	s10 =	simm.s32 $0x800;
	s11 =	simm.s32 $0x1;
	s6 =	sand.u32 $0x1, s6  }
0xa: {  	s12 =	simm.s32 $0x1080;
	s13 =	simm.s32 $0x80;
	s8 =	sshll.u32 s6, $0x4  }
0xb: {  	s14 =	simm.s32 $0x2;
	s6 =	ssub.s32 $0x2, s6;
	s7 =	sor.u32 s8, s7  }
0xc: {  	s31 =	sshrl.u32 s6, $0x1;
	s8 =	simm.s32 $0x1000;
	s3 =	sadd.s32 s3, s7  }
0xd: {  	s4 =	sadd.s32 s4, s7;
	s9 =	ssub.s32 s6, s31;
	s6 =	sadd.s32 s30, s7  }
0xe: {  	v0 =	vlaneseq.u32;
	v1 =	vimm.f32 $0.0e+00;
	s5 =	sadd.s32 $0x400, s3;
	s7 =	smax.u32 s9, $0x1;
	s9 =	simm.s32 $0x200  }
.LBB2_2:
0xf: {  	s16 =	simm.s32 $0x0  }
0x10: {  	[tilespmem:s8], [sflag:$0x1] =	stream.linear.gather [hbm4b:s6+s16], $0x80, $0x38;
	[tilespmem:$0x2080] =	vst v63  }
0x11: {  	_ = 	snop  }
0x12: {  	[tilespmem:s16], [sflag:$0x1] =	stream.strided.gather [hbm4b:s3+s13], $0x800, s9, s13, $0x38;
	[tilespmem:$0x2080] =	vst v63  }
0x13: {  	_ = 	snop  }
0x14: {  	[tilespmem:s10], [sflag:$0x1] =	stream.strided.gather [hbm4b:s5+s13], $0x800, s9, s13, $0x38;
	[tilespmem:$0x2080] =	vst v63  }
0x15: {  	_ =	swait.ge [sflag:s11], $0x80  }
0x16: {  	[sflag:s11] =	ssyncset.done $0x0  }
0x17: {  	[sflag:s11] =	ssyncadd.s32 $0xFFFFFF80  }
0x18: {  	_ =	swait.ge [sflag:s11], $0x800  }
0x19: {  	[sflag:s11] =	ssyncset.done $0x0  }
0x1a: {  	[sflag:s11] =	ssyncadd.s32 $0xFFFFF800  }
0x1b: {  	v2 =	vld [tilespmem:$0x1000]  }
0x1c: {  	v3 =	vld [tilespmem:s13+$0x70]  }
0x1d: {  	v4 =	vld [tilespmem:s13+$0xFFFFFF90]  }
0x1e: {  	v5 =	vld [tilespmem:s13+$0xFFFFFFA0]  }
0x1f: {  	v6 =	vld [tilespmem:s13+$0xFFFFFFB0]  }
0x20: {  	s15 =	simm.s32 $0xF0;
	v7 =	vld [tilespmem:s13+$0xFFFFFFC0]  }
0x21: {  	s17 =	simm.s32 $0x10;
	v8 =	vor.u32 s15, v0;
	v11 =	vld [tilespmem:s13+$0xFFFFFFD0]  }
0x22: {  	s22 =	simm.s32 $0x20;
	v9 =	vor.u32 s17, v0;
	v12 =	vld [tilespmem:s13+$0xFFFFFFE0];
	vm0 =	vlt.s32 v8, v2  }
0x23: {  	s23 =	simm.s32 $0x30;
	v13 =	vld [tilespmem:s13+$0xFFFFFFF0];
	vm1 =	vlt.s32 v9, v2;
	v8 =	vor.u32 s22, v0;
	v9 =	vsel vm0, $0x3F800000, v1  }
0x24: {  	s24 =	simm.s32 $0x40;
	v14 =	vld [tilespmem:s13+$0x0];
	v10 =	vsel vm1, $0x3F800000, v1;
	vm0 =	vlt.s32 v8, v2;
	v8 =	vor.u32 s23, v0;
	[tilespmem:v3+s12+$0x0] =	vst.idx.msk $0xffff, v9  }
0x25: {  	s25 =	simm.s32 $0x50;
	[tilespmem:v4+s12+$0x0] =	vst.idx.msk $0xffff, v10;
	v3 =	vsel vm0, $0x3F800000, v1;
	vm0 =	vlt.s32 v8, v2;
	v4 =	vor.u32 s24, v0;
	v8 =	vld [tilespmem:s13+$0x10]  }
0x26: {  	s26 =	simm.s32 $0x60;
	v9 =	vld [tilespmem:s13+$0x20];
	[tilespmem:v5+s12+$0x0] =	vst.idx.msk $0xffff, v3;
	v3 =	vsel vm0, $0x3F800000, v1;
	vm0 =	vlt.s32 v4, v2;
	v4 =	vor.u32 s25, v0  }
0x27: {  	s28 =	simm.s32 $0x70;
	v10 =	vld [tilespmem:s13+$0x30];
	[tilespmem:v6+s12+$0x0] =	vst.idx.msk $0xffff, v3;
	v3 =	vsel vm0, $0x3F800000, v1;
	vm0 =	vlt.s32 v4, v2;
	v4 =	vor.u32 s26, v0  }
0x28: {  	s29 =	simm.s32 $0x80;
	[tilespmem:v7+s12+$0x0] =	vst.idx.msk $0xffff, v3;
	v3 =	vsel vm0, $0x3F800000, v1;
	vm0 =	vlt.s32 v4, v2;
	v4 =	vor.u32 s28, v0;
	v7 =	vld [tilespmem:s13+$0x40]  }
0x29: {  	s30 =	simm.s32 $0x90;
	v6 =	vld [tilespmem:s13+$0x50];
	[tilespmem:v11+s12+$0x0] =	vst.idx.msk $0xffff, v3;
	v3 =	vsel vm0, $0x3F800000, v1;
	vm0 =	vlt.s32 v4, v2;
	v4 =	vor.u32 s29, v0  }
0x2a: {  	s31 =	simm.s32 $0xA0;
	v5 =	vld [tilespmem:s13+$0x60];
	[tilespmem:v12+s12+$0x0] =	vst.idx.msk $0xffff, v3;
	v11 =	vsel vm0, $0x3F800000, v1;
	vm0 =	vlt.s32 v4, v2;
	v4 =	vor.u32 s30, v0  }
0x2b: {  	s19 =	simm.s32 $0xB0;
	s17 =	simm.s32 $0x180;
	v3 =	vld [tilespmem:s13+$0xFFFFFF80];
	v12 =	vor.u32 s31, v0;
	[tilespmem:v13+s12+$0x0] =	vst.idx.msk $0xffff, v11;
	v11 =	vsel vm0, $0x3F800000, v1;
	vm0 =	vlt.s32 v4, v2  }
0x2c: {  	s18 =	simm.s32 $0x200;
	s15 =	simm.s32 $0x100;
	v4 =	vld [tilespmem:s17+$0x70];
	[tilespmem:v14+s12+$0x0] =	vst.idx.msk $0xffff, v11;
	v11 =	vsel vm0, $0x3F800000, v1;
	vm0 =	vlt.s32 v12, v2;
	v12 =	vor.u32 s19, v0;
	s19 =	simm.s32 $0xC0  }
.LBB2_3:
0x2d: {  	p0 =	slt.u32 s18, $0x700;
	v13 =	vld [tilespmem:s17+$0xFFFFFF90];
	[tilespmem:v8+s12+$0x0] =	vst.idx.msk $0xffff, v11;
	v8 =	vsel vm0, $0x3F800000, v1;
	vm0 =	vlt.s32 v12, v2;
	v11 =	vor.u32 s19, v0;
	s19 =	sadd.s32 $0xD0, s16  }
0x2e: {  	v12 =	vld [tilespmem:s17+$0xFFFFFFA0];
	[tilespmem:v9+s12+$0x0] =	vst.idx.msk $0xffff, v8;
	v8 =	vsel vm0, $0x3F800000, v1;
	vm0 =	vlt.s32 v11, v2;
	v9 =	vor.u32 s19, v0;
	s19 =	sadd.s32 $0xE0, s16  }
0x2f: {  	v11 =	vld [tilespmem:s17+$0xFFFFFFB0];
	[tilespmem:v10+s12+$0x0] =	vst.idx.msk $0xffff, v8;
	v8 =	vsel vm0, $0x3F800000, v1;
	vm0 =	vlt.s32 v9, v2;
	v9 =	vor.u32 s19, v0  }
0x30: {  	s19 =	sadd.s32 $0xF0, s15;
	v10 =	vor.u32 s16, v0;
	s16 =	smov.u32 s15;
	s15 =	smov.u32 s18;
	v14 =	vld [tilespmem:s17+$0xFFFFFFC0];
	[tilespmem:v7+s12+$0x0] =	vst.idx.msk $0xffff, v8;
	v7 =	vsel vm0, $0x3F800000, v1;
	vm0 =	vlt.s32 v9, v2  }
0x31: {  	s20 =	sadd.s32 $0x10, s16;
	v8 =	vor.u32 s19, v0;
	vm1 =	vlt.s32 v10, v2;
	v15 =	vld [tilespmem:s17+$0xFFFFFFD0];
	[tilespmem:v6+s12+$0x0] =	vst.idx.msk $0xffff, v7;
	v6 =	vsel vm0, $0x3F800000, v1  }
0x32: {  	s19 =	sadd.s32 $0x20, s16;
	v7 =	vor.u32 s20, v0;
	vm0 =	vlt.s32 v8, v2;
	v8 =	vsel vm1, $0x3F800000, v1;
	v16 =	vld [tilespmem:s17+$0xFFFFFFE0];
	[tilespmem:v5+s12+$0x0] =	vst.idx.msk $0xffff, v6  }
0x33: {  	vm1 =	vlt.s32 v7, v2;
	v5 =	vor.u32 s19, v0;
	s19 =	sadd.s32 $0x30, s16;
	v6 =	vsel vm0, $0x3F800000, v1;
	v17 =	vld [tilespmem:s17+$0xFFFFFFF0];
	[tilespmem:v3+s12+$0x0] =	vst.idx.msk $0xffff, v8  }
0x34: {  	v3 =	vsel vm1, $0x3F800000, v1;
	vm0 =	vlt.s32 v5, v2;
	v5 =	vor.u32 s19, v0;
	s19 =	sadd.s32 $0x40, s16;
	v18 =	vld [tilespmem:s17+$0x0];
	[tilespmem:v4+s12+$0x0] =	vst.idx.msk $0xffff, v6  }
0x35: {  	v4 =	vor.u32 s19, v0;
	s19 =	sadd.s32 $0x50, s16;
	[tilespmem:v13+s12+$0x0] =	vst.idx.msk $0xffff, v3;
	v3 =	vsel vm0, $0x3F800000, v1;
	vm0 =	vlt.s32 v5, v2;
	v8 =	vld [tilespmem:s17+$0x10]  }
0x36: {  	[tilespmem:v12+s12+$0x0] =	vst.idx.msk $0xffff, v3;
	v3 =	vsel vm0, $0x3F800000, v1;
	vm0 =	vlt.s32 v4, v2;
	v4 =	vor.u32 s19, v0;
	s19 =	sadd.s32 $0x60, s16;
	v9 =	vld [tilespmem:s17+$0x20]  }
0x37: {  	[tilespmem:v11+s12+$0x0] =	vst.idx.msk $0xffff, v3;
	v3 =	vsel vm0, $0x3F800000, v1;
	vm0 =	vlt.s32 v4, v2;
	v4 =	vor.u32 s19, v0;
	s19 =	sadd.s32 $0x70, s16;
	v10 =	vld [tilespmem:s17+$0x30]  }
.Ltmp1:
0x38: {  	[tilespmem:v14+s12+$0x0] =	vst.idx.msk $0xffff, v3;
	v3 =	vsel vm0, $0x3F800000, v1;
	vm0 =	vlt.s32 v4, v2;
	v4 =	vor.u32 s19, v0;
	s19 =	sadd.s32 $0x80, s16;
	v7 =	vld [tilespmem:s17+$0x40];
	(pc) =	sbr.rel @p0 .LBB2_3-.Ltmp1, $4  }
0x39: {  	[tilespmem:v15+s12+$0x0] =	vst.idx.msk $0xffff, v3;
	v3 =	vsel vm0, $0x3F800000, v1;
	vm0 =	vlt.s32 v4, v2;
	v4 =	vor.u32 s19, v0;
	s19 =	sadd.s32 $0x90, s16;
	v6 =	vld [tilespmem:s17+$0x50]  }
0x3a: {  	[tilespmem:v16+s12+$0x0] =	vst.idx.msk $0xffff, v3;
	v11 =	vsel vm0, $0x3F800000, v1;
	vm0 =	vlt.s32 v4, v2;
	v4 =	vor.u32 s19, v0;
	s19 =	sadd.s32 $0xA0, s16;
	v5 =	vld [tilespmem:s17+$0x60]  }
0x3b: {  	v3 =	vld [tilespmem:s17+$0xFFFFFF80];
	[tilespmem:v17+s12+$0x0] =	vst.idx.msk $0xffff, v11;
	v11 =	vsel vm0, $0x3F800000, v1;
	vm0 =	vlt.s32 v4, v2;
	v12 =	vor.u32 s19, v0;
	s19 =	sadd.s32 $0xB0, s16;
	s17 =	sadd.s32 $0x100, s17  }
0x3c: {  	s18 =	sadd.s32 $0x100, s18;
	v4 =	vld [tilespmem:s17+$0x70];
	[tilespmem:v18+s12+$0x0] =	vst.idx.msk $0xffff, v11;
	v11 =	vsel vm0, $0x3F800000, v1;
	vm0 =	vlt.s32 v12, v2;
	v12 =	vor.u32 s19, v0;
	s19 =	sadd.s32 $0xC0, s16  }
0x3d: {  	_ =	sdelay $0x3  }
0x3e: {  	v13 =	vld [tilespmem:s17+$0xFFFFFF90];
	[tilespmem:v8+s12+$0x0] =	vst.idx.msk $0xffff, v11;
	v8 =	vsel vm0, $0x3F800000, v1;
	vm0 =	vlt.s32 v12, v2;
	v11 =	vor.u32 s19, v0;
	s18 =	sadd.s32 $0xD0, s16  }
0x3f: {  	v12 =	vld [tilespmem:s17+$0xFFFFFFA0];
	s29 =	sadd.s32 $0xE0, s16;
	[tilespmem:v9+s12+$0x0] =	vst.idx.msk $0xffff, v8;
	v8 =	vsel vm0, $0x3F800000, v1;
	vm0 =	vlt.s32 v11, v2;
	v9 =	vor.u32 s18, v0  }
0x40: {  	v11 =	vld [tilespmem:s17+$0xFFFFFFB0];
	[tilespmem:v10+s12+$0x0] =	vst.idx.msk $0xffff, v8;
	v8 =	vsel vm0, $0x3F800000, v1;
	vm0 =	vlt.s32 v9, v2;
	v9 =	vor.u32 s29, v0  }
0x41: {  	s30 =	sadd.s32 $0xF0, s15;
	v14 =	vor.u32 s16, v0;
	v10 =	vld [tilespmem:s17+$0xFFFFFFC0];
	[tilespmem:v7+s12+$0x0] =	vst.idx.msk $0xffff, v8;
	v7 =	vsel vm0, $0x3F800000, v1;
	vm0 =	vlt.s32 v9, v2  }
0x42: {  	s31 =	sadd.s32 $0x10, s15;
	vm1 =	vlt.s32 v14, v2;
	v8 =	vld [tilespmem:s17+$0xFFFFFFD0];
	v9 =	vor.u32 s30, v0;
	[tilespmem:v6+s12+$0x0] =	vst.idx.msk $0xffff, v7;
	v6 =	vsel vm0, $0x3F800000, v1  }
0x43: {  	s19 =	sadd.s32 $0x20, s15;
	v14 =	vld [tilespmem:s17+$0xFFFFFFE0];
	v7 =	vor.u32 s31, v0;
	vm0 =	vlt.s32 v9, v2;
	v9 =	vsel vm1, $0x3F800000, v1;
	[tilespmem:v5+s12+$0x0] =	vst.idx.msk $0xffff, v6  }
0x44: {  	s20 =	sadd.s32 $0x30, s15;
	vm1 =	vlt.s32 v7, v2;
	v5 =	vor.u32 s19, v0;
	v6 =	vld [tilespmem:s17+$0xFFFFFFF0];
	v7 =	vsel vm0, $0x3F800000, v1;
	[tilespmem:v3+s12+$0x0] =	vst.idx.msk $0xffff, v9  }
0x45: {  	s21 =	sadd.s32 $0x40, s15;
	v9 =	vld [tilespmem:s17+$0x0];
	v3 =	vsel vm1, $0x3F800000, v1;
	vm0 =	vlt.s32 v5, v2;
	v5 =	vor.u32 s20, v0;
	[tilespmem:v4+s12+$0x0] =	vst.idx.msk $0xffff, v7  }
0x46: {  	s22 =	sadd.s32 $0x50, s15;
	v4 =	vor.u32 s21, v0;
	[tilespmem:v13+s12+$0x0] =	vst.idx.msk $0xffff, v3;
	v3 =	vsel vm0, $0x3F800000, v1;
	vm0 =	vlt.s32 v5, v2;
	v5 =	vld [tilespmem:s17+$0x10]  }
0x47: {  	s23 =	sadd.s32 $0x60, s15;
	v7 =	vld [tilespmem:s17+$0x20];
	[tilespmem:v12+s12+$0x0] =	vst.idx.msk $0xffff, v3;
	v3 =	vsel vm0, $0x3F800000, v1;
	vm0 =	vlt.s32 v4, v2;
	v4 =	vor.u32 s22, v0  }
0x48: {  	s24 =	sadd.s32 $0x70, s15;
	[tilespmem:v11+s12+$0x0] =	vst.idx.msk $0xffff, v3;
	v3 =	vsel vm0, $0x3F800000, v1;
	vm0 =	vlt.s32 v4, v2;
	v4 =	vor.u32 s23, v0;
	v11 =	vld [tilespmem:s17+$0x30]  }
0x49: {  	s25 =	sadd.s32 $0x80, s15;
	[tilespmem:v10+s12+$0x0] =	vst.idx.msk $0xffff, v3;
	v3 =	vsel vm0, $0x3F800000, v1;
	vm0 =	vlt.s32 v4, v2;
	v4 =	vor.u32 s24, v0;
	v10 =	vld [tilespmem:s17+$0x40]  }
0x4a: {  	s26 =	sadd.s32 $0x90, s15;
	[tilespmem:v8+s12+$0x0] =	vst.idx.msk $0xffff, v3;
	v3 =	vsel vm0, $0x3F800000, v1;
	vm0 =	vlt.s32 v4, v2;
	v4 =	vor.u32 s25, v0;
	v8 =	vld [tilespmem:s17+$0x50]  }
0x4b: {  	s28 =	sadd.s32 $0xA0, s15;
	v13 =	vld [tilespmem:s17+$0xFFFFFF80];
	[tilespmem:v14+s12+$0x0] =	vst.idx.msk $0xffff, v3;
	v3 =	vsel vm0, $0x3F800000, v1;
	vm0 =	vlt.s32 v4, v2;
	v4 =	vor.u32 s26, v0  }
0x4c: {  	s29 =	sadd.s32 $0xB0, s15;
	v12 =	vld [tilespmem:s17+$0x60];
	[tilespmem:v6+s12+$0x0] =	vst.idx.msk $0xffff, v3;
	v3 =	vsel vm0, $0x3F800000, v1;
	vm0 =	vlt.s32 v4, v2;
	v4 =	vor.u32 s28, v0  }
0x4d: {  	s30 =	sadd.s32 $0xC0, s15;
	[tilespmem:v9+s12+$0x0] =	vst.idx.msk $0xffff, v3;
	v3 =	vsel vm0, $0x3F800000, v1;
	vm0 =	vlt.s32 v4, v2;
	v4 =	vor.u32 s29, v0  }
0x4e: {  	s31 =	sadd.s32 $0xD0, s15;
	[tilespmem:v5+s12+$0x0] =	vst.idx.msk $0xffff, v3;
	v3 =	vsel vm0, $0x3F800000, v1;
	vm0 =	vlt.s32 v4, v2;
	v4 =	vor.u32 s30, v0  }
0x4f: {  	[tilespmem:v7+s12+$0x0] =	vst.idx.msk $0xffff, v3;
	v3 =	vsel vm0, $0x3F800000, v1;
	vm0 =	vlt.s32 v4, v2;
	v4 =	vor.u32 s31, v0  }
0x50: {  	s17 =	sadd.s32 $0xE0, s15;
	v5 =	vor.u32 s15, v0;
	[tilespmem:v11+s12+$0x0] =	vst.idx.msk $0xffff, v3;
	v3 =	vsel vm0, $0x3F800000, v1;
	vm0 =	vlt.s32 v4, v2  }
0x51: {  	vm1 =	vlt.s32 v5, v2;
	v4 =	vor.u32 s17, v0;
	[tilespmem:v10+s12+$0x0] =	vst.idx.msk $0xffff, v3;
	v3 =	vsel vm0, $0x3F800000, v1  }
0x52: {  	vm0 =	vlt.s32 v4, v2;
	v4 =	vsel vm1, $0x3F800000, v1;
	[tilespmem:v8+s12+$0x0] =	vst.idx.msk $0xffff, v3  }
0x53: {  	v3 =	vsel vm0, $0x3F800000, v1;
	[tilespmem:v13+s12+$0x0] =	vst.idx.msk $0xffff, v4  }
0x54: {  	[tilespmem:v12+s12+$0x0] =	vst.idx.msk $0xffff, v3  }
0x55: {  	_ =	swait.ge [sflag:s11], $0x800  }
0x56: {  	[sflag:s11] =	ssyncset.done $0x0  }
0x57: {  	s18 =	simm.s32 $0x8F0;
	[sflag:s11] =	ssyncadd.s32 $0xFFFFF800  }
0x58: {  	v3 =	vld [tilespmem:s18+$0x0]  }
0x59: {  	v4 =	vld [tilespmem:s18+$0xFFFFFF20]  }
0x5a: {  	v5 =	vld [tilespmem:s18+$0xFFFFFF30]  }
0x5b: {  	v6 =	vld [tilespmem:s18+$0xFFFFFF40]  }
0x5c: {  	s19 =	simm.s32 $0x8F0;
	v7 =	vld [tilespmem:s18+$0xFFFFFF50]  }
0x5d: {  	s20 =	simm.s32 $0x810;
	v8 =	vor.u32 s19, v0;
	v11 =	vld [tilespmem:s18+$0xFFFFFF60]  }
0x5e: {  	s21 =	simm.s32 $0x820;
	v9 =	vor.u32 s20, v0;
	vm0 =	vlt.s32 v8, v2;
	v12 =	vld [tilespmem:s18+$0xFFFFFF70]  }
0x5f: {  	s22 =	simm.s32 $0x830;
	vm1 =	vlt.s32 v9, v2;
	v8 =	vor.u32 s21, v0;
	v9 =	vsel vm0, $0x3F800000, v1;
	v13 =	vld [tilespmem:s18+$0xFFFFFF80]  }
0x60: {  	s23 =	simm.s32 $0x840;
	v10 =	vsel vm1, $0x3F800000, v1;
	vm0 =	vlt.s32 v8, v2;
	v8 =	vor.u32 s22, v0;
	v14 =	vld [tilespmem:s18+$0xFFFFFF90];
	[tilespmem:v3+s12+$0x0] =	vst.idx.msk $0xffff, v9  }
0x61: {  	s24 =	simm.s32 $0x850;
	[tilespmem:v4+s12+$0x0] =	vst.idx.msk $0xffff, v10;
	v3 =	vsel vm0, $0x3F800000, v1;
	vm0 =	vlt.s32 v8, v2;
	v4 =	vor.u32 s23, v0;
	v8 =	vld [tilespmem:s18+$0xFFFFFFA0]  }
0x62: {  	s25 =	simm.s32 $0x860;
	v9 =	vld [tilespmem:s18+$0xFFFFFFB0];
	[tilespmem:v5+s12+$0x0] =	vst.idx.msk $0xffff, v3;
	v3 =	vsel vm0, $0x3F800000, v1;
	vm0 =	vlt.s32 v4, v2;
	v4 =	vor.u32 s24, v0  }
0x63: {  	s26 =	simm.s32 $0x870;
	v10 =	vld [tilespmem:s18+$0xFFFFFFC0];
	[tilespmem:v6+s12+$0x0] =	vst.idx.msk $0xffff, v3;
	v3 =	vsel vm0, $0x3F800000, v1;
	vm0 =	vlt.s32 v4, v2;
	v4 =	vor.u32 s25, v0  }
0x64: {  	s28 =	simm.s32 $0x880;
	[tilespmem:v7+s12+$0x0] =	vst.idx.msk $0xffff, v3;
	v3 =	vsel vm0, $0x3F800000, v1;
	vm0 =	vlt.s32 v4, v2;
	v4 =	vor.u32 s26, v0;
	v7 =	vld [tilespmem:s18+$0xFFFFFFD0]  }
0x65: {  	s29 =	simm.s32 $0x890;
	v6 =	vld [tilespmem:s18+$0xFFFFFFE0];
	[tilespmem:v11+s12+$0x0] =	vst.idx.msk $0xffff, v3;
	v3 =	vsel vm0, $0x3F800000, v1;
	vm0 =	vlt.s32 v4, v2;
	v4 =	vor.u32 s28, v0  }
0x66: {  	s30 =	simm.s32 $0x8A0;
	v5 =	vld [tilespmem:s18+$0xFFFFFFF0];
	[tilespmem:v12+s12+$0x0] =	vst.idx.msk $0xffff, v3;
	v11 =	vsel vm0, $0x3F800000, v1;
	vm0 =	vlt.s32 v4, v2;
	v4 =	vor.u32 s29, v0  }
0x67: {  	s16 =	simm.s32 $0x9F0;
	s15 =	simm.s32 $0x900;
	s31 =	simm.s32 $0x8B0;
	v3 =	vld [tilespmem:s18+$0xFFFFFF10];
	v12 =	vor.u32 s30, v0;
	[tilespmem:v13+s12+$0x0] =	vst.idx.msk $0xffff, v11;
	v11 =	vsel vm0, $0x3F800000, v1;
	vm0 =	vlt.s32 v4, v2  }
0x68: {  	s17 =	simm.s32 $0x800;
	s19 =	simm.s32 $0x8C0;
	s18 =	simm.s32 $0xA00;
	v4 =	vld [tilespmem:s16+$0x0];
	[tilespmem:v14+s12+$0x0] =	vst.idx.msk $0xffff, v11;
	v11 =	vsel vm0, $0x3F800000, v1;
	vm0 =	vlt.s32 v12, v2;
	v12 =	vor.u32 s31, v0  }
.LBB2_5:
0x69: {  	p0 =	slt.u32 s18, $0xF00;
	v13 =	vld [tilespmem:s16+$0xFFFFFF20];
	[tilespmem:v8+s12+$0x0] =	vst.idx.msk $0xffff, v11;
	v8 =	vsel vm0, $0x3F800000, v1;
	vm0 =	vlt.s32 v12, v2;
	v11 =	vor.u32 s19, v0;
	s19 =	sadd.s32 $0xD0, s17  }
0x6a: {  	v12 =	vld [tilespmem:s16+$0xFFFFFF30];
	[tilespmem:v9+s12+$0x0] =	vst.idx.msk $0xffff, v8;
	v8 =	vsel vm0, $0x3F800000, v1;
	vm0 =	vlt.s32 v11, v2;
	v9 =	vor.u32 s19, v0;
	s19 =	sadd.s32 $0xE0, s17  }
0x6b: {  	v11 =	vld [tilespmem:s16+$0xFFFFFF40];
	[tilespmem:v10+s12+$0x0] =	vst.idx.msk $0xffff, v8;
	v8 =	vsel vm0, $0x3F800000, v1;
	vm0 =	vlt.s32 v9, v2;
	v9 =	vor.u32 s19, v0  }
0x6c: {  	s19 =	sadd.s32 $0xF0, s15;
	v10 =	vor.u32 s17, v0;
	s17 =	smov.u32 s15;
	s15 =	smov.u32 s18;
	v14 =	vld [tilespmem:s16+$0xFFFFFF50];
	[tilespmem:v7+s12+$0x0] =	vst.idx.msk $0xffff, v8;
	v7 =	vsel vm0, $0x3F800000, v1;
	vm0 =	vlt.s32 v9, v2  }
0x6d: {  	s20 =	sadd.s32 $0x10, s17;
	v8 =	vor.u32 s19, v0;
	vm1 =	vlt.s32 v10, v2;
	v15 =	vld [tilespmem:s16+$0xFFFFFF60];
	[tilespmem:v6+s12+$0x0] =	vst.idx.msk $0xffff, v7;
	v6 =	vsel vm0, $0x3F800000, v1  }
0x6e: {  	s19 =	sadd.s32 $0x20, s17;
	v7 =	vor.u32 s20, v0;
	vm0 =	vlt.s32 v8, v2;
	v8 =	vsel vm1, $0x3F800000, v1;
	v16 =	vld [tilespmem:s16+$0xFFFFFF70];
	[tilespmem:v5+s12+$0x0] =	vst.idx.msk $0xffff, v6  }
0x6f: {  	vm1 =	vlt.s32 v7, v2;
	v5 =	vor.u32 s19, v0;
	s19 =	sadd.s32 $0x30, s17;
	v6 =	vsel vm0, $0x3F800000, v1;
	v17 =	vld [tilespmem:s16+$0xFFFFFF80];
	[tilespmem:v3+s12+$0x0] =	vst.idx.msk $0xffff, v8  }
0x70: {  	v3 =	vsel vm1, $0x3F800000, v1;
	vm0 =	vlt.s32 v5, v2;
	v5 =	vor.u32 s19, v0;
	s19 =	sadd.s32 $0x40, s17;
	v18 =	vld [tilespmem:s16+$0xFFFFFF90];
	[tilespmem:v4+s12+$0x0] =	vst.idx.msk $0xffff, v6  }
0x71: {  	v4 =	vor.u32 s19, v0;
	s19 =	sadd.s32 $0x50, s17;
	[tilespmem:v13+s12+$0x0] =	vst.idx.msk $0xffff, v3;
	v3 =	vsel vm0, $0x3F800000, v1;
	vm0 =	vlt.s32 v5, v2;
	v8 =	vld [tilespmem:s16+$0xFFFFFFA0]  }
0x72: {  	[tilespmem:v12+s12+$0x0] =	vst.idx.msk $0xffff, v3;
	v3 =	vsel vm0, $0x3F800000, v1;
	vm0 =	vlt.s32 v4, v2;
	v4 =	vor.u32 s19, v0;
	s19 =	sadd.s32 $0x60, s17;
	v9 =	vld [tilespmem:s16+$0xFFFFFFB0]  }
0x73: {  	[tilespmem:v11+s12+$0x0] =	vst.idx.msk $0xffff, v3;
	v3 =	vsel vm0, $0x3F800000, v1;
	vm0 =	vlt.s32 v4, v2;
	v4 =	vor.u32 s19, v0;
	s19 =	sadd.s32 $0x70, s17;
	v10 =	vld [tilespmem:s16+$0xFFFFFFC0]  }
.Ltmp2:
0x74: {  	[tilespmem:v14+s12+$0x0] =	vst.idx.msk $0xffff, v3;
	v3 =	vsel vm0, $0x3F800000, v1;
	vm0 =	vlt.s32 v4, v2;
	v4 =	vor.u32 s19, v0;
	s19 =	sadd.s32 $0x80, s17;
	v7 =	vld [tilespmem:s16+$0xFFFFFFD0];
	(pc) =	sbr.rel @p0 .LBB2_5-.Ltmp2, $4  }
0x75: {  	[tilespmem:v15+s12+$0x0] =	vst.idx.msk $0xffff, v3;
	v3 =	vsel vm0, $0x3F800000, v1;
	vm0 =	vlt.s32 v4, v2;
	v4 =	vor.u32 s19, v0;
	s19 =	sadd.s32 $0x90, s17;
	v6 =	vld [tilespmem:s16+$0xFFFFFFE0]  }
0x76: {  	[tilespmem:v16+s12+$0x0] =	vst.idx.msk $0xffff, v3;
	v11 =	vsel vm0, $0x3F800000, v1;
	vm0 =	vlt.s32 v4, v2;
	v4 =	vor.u32 s19, v0;
	s19 =	sadd.s32 $0xA0, s17;
	v5 =	vld [tilespmem:s16+$0xFFFFFFF0]  }
0x77: {  	v3 =	vld [tilespmem:s16+$0xFFFFFF10];
	[tilespmem:v17+s12+$0x0] =	vst.idx.msk $0xffff, v11;
	v11 =	vsel vm0, $0x3F800000, v1;
	vm0 =	vlt.s32 v4, v2;
	v12 =	vor.u32 s19, v0;
	s19 =	sadd.s32 $0xB0, s17;
	s16 =	sadd.s32 $0x100, s16  }
0x78: {  	s18 =	sadd.s32 $0x100, s18;
	v4 =	vld [tilespmem:s16+$0x0];
	[tilespmem:v18+s12+$0x0] =	vst.idx.msk $0xffff, v11;
	v11 =	vsel vm0, $0x3F800000, v1;
	vm0 =	vlt.s32 v12, v2;
	v12 =	vor.u32 s19, v0;
	s19 =	sadd.s32 $0xC0, s17  }
0x79: {  	v24 =	vsel vm0, $0x3F800000, v1  }
0x7a: {  	vm8 =	vlt.s32 v12, v2;
	v25 =	vor.u32 s19, v0;
	v14 =	vor.u32 s17, v0  }
0x7b: {  	s18 =	sadd.s32 $0xD0, s17;
	s29 =	sadd.s32 $0xE0, s17;
	s30 =	sadd.s32 $0xF0, s15;
	v63 =	vor.u32 s15, v0;
	v27 =	vsel vm8, $0x3F800000, v1;
	vm9 =	vlt.s32 v25, v2  }
0x7c: {  	s31 =	sadd.s32 $0x10, s15;
	s19 =	sadd.s32 $0x30, s15;
	v28 =	vor.u32 s18, v0;
	v31 =	vor.u32 s29, v0;
	v35 =	vor.u32 s30, v0  }
0x7d: {  	s20 =	sadd.s32 $0x40, s15;
	s21 =	sadd.s32 $0x50, s15;
	s22 =	sadd.s32 $0x60, s15;
	vm1 =	vlt.s32 v14, v2;
	v37 =	vor.u32 s31, v0;
	v43 =	vor.u32 s19, v0  }
0x7e: {  	s23 =	sadd.s32 $0x70, s15;
	s24 =	sadd.s32 $0x80, s15;
	s25 =	sadd.s32 $0x90, s15;
	v45 =	vor.u32 s20, v0;
	v47 =	vor.u32 s21, v0;
	v49 =	vor.u32 s22, v0  }
0x7f: {  	[tilespmem:v8+s12+$0x0] =	vst.idx.msk $0xffff, v11;
	s26 =	sadd.s32 $0xA0, s15;
	s28 =	sadd.s32 $0xB0, s15;
	v51 =	vor.u32 s23, v0;
	v53 =	vor.u32 s24, v0;
	v55 =	vor.u32 s25, v0  }
0x80: {  	v13 =	vld [tilespmem:s16+$0xFFFFFF20];
	[tilespmem:v9+s12+$0x0] =	vst.idx.msk $0xffff, v24;
	v58 =	vor.u32 s26, v0;
	v59 =	vor.u32 s28, v0;
	v30 =	vsel vm9, $0x3F800000, v1  }
0x81: {  	v26 =	vld [tilespmem:s16+$0xFFFFFF30];
	vm10 =	vlt.s32 v28, v2;
	vm11 =	vlt.s32 v31, v2;
	vm12 =	vlt.s32 v35, v2  }
0x82: {  	v29 =	vld [tilespmem:s16+$0xFFFFFF40];
	s18 =	sadd.s32 $0x20, s15;
	[tilespmem:v10+s12+$0x0] =	vst.idx.msk $0xffff, v27;
	v39 =	vsel vm1, $0x3F800000, v1;
	vm13 =	vlt.s32 v37, v2;
	vm15 =	vlt.s32 v43, v2  }
0x83: {  	v56 =	vld [tilespmem:s16+$0xFFFFFFF0];
	v40 =	vor.u32 s18, v0;
	vm4 =	vlt.s32 v45, v2;
	vm5 =	vlt.s32 v47, v2;
	[tilespmem:v7+s12+$0x0] =	vst.idx.msk $0xffff, v30  }
0x84: {  	v32 =	vld [tilespmem:s16+$0xFFFFFF50];
	vm6 =	vlt.s32 v49, v2;
	vm7 =	vlt.s32 v51, v2;
	v33 =	vsel vm10, $0x3F800000, v1;
	[tilespmem:v3+s12+$0x0] =	vst.idx.msk $0xffff, v39  }
0x85: {  	v34 =	vld [tilespmem:s16+$0xFFFFFF60];
	s29 =	sadd.s32 $0xC0, s15;
	s30 =	sadd.s32 $0xD0, s15;
	vm8 =	vlt.s32 v53, v2;
	vm9 =	vlt.s32 v55, v2;
	v36 =	vsel vm11, $0x3F800000, v1;
	[tilespmem:v6+s12+$0x0] =	vst.idx.msk $0xffff, v33  }
0x86: {  	v38 =	vld [tilespmem:s16+$0xFFFFFF70];
	s31 =	sadd.s32 $0xE0, s15;
	v60 =	vor.u32 s29, v0;
	v61 =	vor.u32 s30, v0;
	v42 =	vsel vm12, $0x3F800000, v1;
	[tilespmem:v5+s12+$0x0] =	vst.idx.msk $0xffff, v36  }
0x87: {  	v41 =	vld [tilespmem:s16+$0xFFFFFF80];
	v62 =	vor.u32 s31, v0;
	v3 =	vsel vm13, $0x3F800000, v1;
	vm14 =	vlt.s32 v40, v2;
	[tilespmem:v4+s12+$0x0] =	vst.idx.msk $0xffff, v42  }
0x88: {  	v44 =	vld [tilespmem:s16+$0xFFFFFF90];
	vm10 =	vlt.s32 v58, v2;
	vm11 =	vlt.s32 v59, v2;
	[tilespmem:v13+s12+$0x0] =	vst.idx.msk $0xffff, v3;
	v3 =	vsel vm14, $0x3F800000, v1  }
0x89: {  	v46 =	vld [tilespmem:s16+$0xFFFFFFA0];
	vm12 =	vlt.s32 v60, v2;
	vm14 =	vlt.s32 v62, v2;
	[tilespmem:v26+s12+$0x0] =	vst.idx.msk $0xffff, v3;
	v3 =	vsel vm15, $0x3F800000, v1  }
0x8a: {  	v48 =	vld [tilespmem:s16+$0xFFFFFFB0];
	vm13 =	vlt.s32 v61, v2;
	vm15 =	vlt.s32 v63, v2;
	v2 =	vsel vm14, $0x3F800000, v1;
	[tilespmem:v29+s12+$0x0] =	vst.idx.msk $0xffff, v3  }
0x8b: {  	v50 =	vld [tilespmem:s16+$0xFFFFFFC0];
	v3 =	vsel vm4, $0x3F800000, v1;
	[tilespmem:v56+s12+$0x0] =	vst.idx.msk $0xffff, v2  }
0x8c: {  	v52 =	vld [tilespmem:s16+$0xFFFFFFD0];
	[tilespmem:v32+s12+$0x0] =	vst.idx.msk $0xffff, v3;
	v3 =	vsel vm5, $0x3F800000, v1  }
0x8d: {  	v54 =	vld [tilespmem:s16+$0xFFFFFFE0];
	[tilespmem:v34+s12+$0x0] =	vst.idx.msk $0xffff, v3;
	v3 =	vsel vm6, $0x3F800000, v1  }
0x8e: {  	v57 =	vld [tilespmem:s16+$0xFFFFFF10];
	[tilespmem:v38+s12+$0x0] =	vst.idx.msk $0xffff, v3;
	v3 =	vsel vm7, $0x3F800000, v1  }
0x8f: {  	[tilespmem:v41+s12+$0x0] =	vst.idx.msk $0xffff, v3;
	v3 =	vsel vm8, $0x3F800000, v1  }
0x90: {  	[tilespmem:v44+s12+$0x0] =	vst.idx.msk $0xffff, v3;
	v3 =	vsel vm9, $0x3F800000, v1  }
0x91: {  	[tilespmem:v46+s12+$0x0] =	vst.idx.msk $0xffff, v3;
	v3 =	vsel vm10, $0x3F800000, v1  }
0x92: {  	[tilespmem:v48+s12+$0x0] =	vst.idx.msk $0xffff, v3;
	v3 =	vsel vm11, $0x3F800000, v1  }
0x93: {  	[tilespmem:v50+s12+$0x0] =	vst.idx.msk $0xffff, v3;
	v3 =	vsel vm12, $0x3F800000, v1  }
0x94: {  	s2 =	sadd.s32 $0x1, s2;
	[tilespmem:v52+s12+$0x0] =	vst.idx.msk $0xffff, v3;
	v3 =	vsel vm13, $0x3F800000, v1  }
0x95: {  	p0 =	sne.s32 s2, s7;
	[tilespmem:v54+s12+$0x0] =	vst.idx.msk $0xffff, v3;
	v3 =	vsel vm15, $0x3F800000, v1  }
.Ltmp3:
0x96: {  	[tilespmem:v57+s12+$0x0] =	vst.idx.msk $0xffff, v3;
	(pc) =	sbr.rel @p0 .LBB2_2-.Ltmp3, $4  }
0x97: {  	[hbm4b:s4+s13] =	stream.strided.scatter [tilespmem:s12], [sflag:$0x2], $0x1000, s9, s13, $0x38;
	[tilespmem:$0x2080] =	vst v63  }
0x98: {  	_ =	swait.ge [sflag:s14], $0x1000  }
0x99: {  	[sflag:s14] =	ssyncset.done $0x0  }
0x9a: {  	[sflag:s14] =	ssyncadd.s32 $0xFFFFF000  }
.LBB2_7:
0x9b: {  	_ =	sfence.sel $0x180000  }
0x9c: {  	[bflag:$0x0] =	sbarrier.arrive $0xFFFF  }
0x9d: {  	p0 =	sne.s32 s1, $0x0;
	_ =	strace $0x90000047  }
0x9e: {  	s0 =	sadd.s32 @!p0 $0x100000, s0;
	[bflag:$0x2] =	sbarrier.arrive $0xFFFF  }
0x9f: {  	[sflag:s0] =	ssyncadd.tile.s32 @!p0 $0x1;
	_ =	shalt  }
.Lfunc_end2:
_tile_overlayer_lowered:
.L_overlay_start_2:
0xa0: {  	(tag) =	ssettag $0x2  }
0xa1: {  	s0 =	rddreg [dreg:$0x0];
	s2 =	stileid.u32  }
0xa2: {  	s1 =	rddreg [dreg:$0x1];
	p0 =	sne.s32 s2, $0x0  }
0xa3: {  	s3 =	rddreg [dreg:$0x2];
	[bflag:$0x3] =	sbarrier.arrive $0xFFFF;
	s2 =	simm.s32 @!p0 $0x1C02  }
0xa4: {  	[timem:s3], [sflag:s2] =	dma.local @!p0 [hbm:s0], s1  }
0xa5: {  	s0 =	simm.s32 @!p0 $0x2  }
0xa6: {  	_ =	swait.ge @!p0 [sflag:s0], s1  }
0xa7: {  	s1 =	ssub.s32 @!p0 $0x0, s1;
	[sflag:s0] =	ssyncset.done @!p0 $0x0  }
0xa8: {  	[sflag:s0] =	ssyncadd.s32 @!p0 s1  }
0xa9: {  	[bflag:$0x3] =	sbarrier.arrive $0xFFFF  }
0xaa: {  	_ =	shalt  }

</sc_bundles>
